<compile_context>
chip_gen: v7x
topology: tpu7x:2x2x1
jax: 0.10.2.dev20260603
libtpu: 0.0.44.dev20260713+nightly
codegen_flags: <defaults>
</compile_context>

<pallas_src>
import functools

import jax
import jax.numpy as jnp
from jax import lax
from jax.experimental import pallas as pl
from jax.experimental.pallas import tpu as pltpu
from jax.experimental.pallas import tpu_sc as plsc


_INV2PI = 0.15915493667125702
_TWOPI = 6.283185307179586
_CC = (0.999999443678766, -0.49999558165578417, 0.04166103279005172,
       -0.001386274731578642, 2.425319249599542e-05, -2.2193949944101022e-07)


def _sc_gather(table, fidx, tidx):
    E = fidx.shape[0]
    N, D = table.shape
    C = 128
    CH = E // C
    info = plsc.get_sparse_core_info()
    NC = info.num_cores
    NW = NC * info.num_subcores
    n_iter = -(-CH // NW)
    mesh = plsc.VectorSubcoreMesh(core_axis_name="c", subcore_axis_name="s")

    S = 2

    @functools.partial(
        pl.kernel,
        mesh=mesh,
        out_type=(jax.ShapeDtypeStruct((E, D), jnp.float32),
                  jax.ShapeDtypeStruct((E, D), jnp.float32)),
        scratch_types=[
            pltpu.VMEM((S * C,), jnp.int32),
            pltpu.VMEM((S * C,), jnp.int32),
            pltpu.VMEM((S * C, D), jnp.float32),
            pltpu.VMEM((S * C, D), jnp.float32),
            pltpu.SemaphoreType.DMA((S,)),
            pltpu.SemaphoreType.DMA((S,)),
            pltpu.SemaphoreType.DMA((S,)),
        ],
    )
    def k(table_h, fidx_h, tidx_h, fout_h, tout_h,
          fiv, tiv, gb, hb, sem_i, sem_g, sem_w):
        wid = lax.axis_index("s") * NC + lax.axis_index("c")

        def stage_in(g):
            r0 = (g * NW + wid) * C
            s = g % S
            pltpu.async_copy(fidx_h.at[pl.ds(r0, C)], fiv.at[pl.ds(s * C, C)], sem_i.at[s])
            pltpu.async_copy(tidx_h.at[pl.ds(r0, C)], tiv.at[pl.ds(s * C, C)], sem_i.at[s])

        def stage_gather(g):
            r0 = (g * NW + wid) * C
            s = g % S
            pltpu.make_async_copy(fidx_h.at[pl.ds(r0, C)], fiv.at[pl.ds(s * C, C)], sem_i.at[s]).wait()
            pltpu.make_async_copy(tidx_h.at[pl.ds(r0, C)], tiv.at[pl.ds(s * C, C)], sem_i.at[s]).wait()
            pltpu.async_copy(table_h.at[fiv.at[pl.ds(s * C, C)]], gb.at[pl.ds(s * C, C)], sem_g.at[s])
            pltpu.async_copy(table_h.at[tiv.at[pl.ds(s * C, C)]], hb.at[pl.ds(s * C, C)], sem_g.at[s])

        def stage_out(g):
            r0 = (g * NW + wid) * C
            s = g % S
            pltpu.make_async_copy(table_h.at[fiv.at[pl.ds(s * C, C)]], gb.at[pl.ds(s * C, C)], sem_g.at[s]).wait()
            pltpu.make_async_copy(table_h.at[tiv.at[pl.ds(s * C, C)]], hb.at[pl.ds(s * C, C)], sem_g.at[s]).wait()
            pltpu.async_copy(gb.at[pl.ds(s * C, C)], fout_h.at[pl.ds(r0, C)], sem_w.at[s])
            pltpu.async_copy(hb.at[pl.ds(s * C, C)], tout_h.at[pl.ds(r0, C)], sem_w.at[s])

        def stage_drain(g):
            r0 = (g * NW + wid) * C
            s = g % S
            pltpu.make_async_copy(gb.at[pl.ds(s * C, C)], fout_h.at[pl.ds(r0, C)], sem_w.at[s]).wait()
            pltpu.make_async_copy(hb.at[pl.ds(s * C, C)], tout_h.at[pl.ds(r0, C)], sem_w.at[s]).wait()

        def live(g):
            return jnp.logical_and(g >= 0, (g * NW + wid) < CH)

        def body(g, carry):
            @pl.when(live(g - 2))
            def _():
                stage_drain(g - 2)

            @pl.when(live(g))
            def _():
                stage_in(g)

            @pl.when(live(g - 1))
            def _():
                stage_out(g - 1)

            @pl.when(live(g))
            def _():
                stage_gather(g)

            return carry

        lax.fori_loop(0, n_iter + S, body, 0)

    return k(table, fidx, tidx)


def _assemble_tc(from2, to2, edge2, t, time_w, time_b, out_w):
    E, D = from2.shape
    DE = edge2.shape[-1]
    DT = time_w.shape[0]
    B = 2560
    G = E // B
    assert E == G * B

    def body(f_ref, g_ref, e_ref, t_ref, w_ref, b_ref, o_ref):
        x = w_ref[...] * t_ref[...] + b_ref[...]
        r = x - jnp.floor(x * _INV2PI + 0.5) * _TWOPI
        u = r * r
        p = jnp.float32(_CC[5])
        for c in (_CC[4], _CC[3], _CC[2], _CC[1], _CC[0]):
            p = p * u + c
        o_ref[...] = jnp.concatenate(
            [f_ref[...].T, e_ref[...], g_ref[...].T, p], axis=0)

    out_t = pl.pallas_call(
        body,
        grid=(G,),
        in_specs=[
            pl.BlockSpec((B, D), lambda i: (i, 0)),
            pl.BlockSpec((B, D), lambda i: (i, 0)),
            pl.BlockSpec((DE, B), lambda i: (0, i)),
            pl.BlockSpec((1, B), lambda i: (0, i)),
            pl.BlockSpec((DT, 1), lambda i: (0, 0)),
            pl.BlockSpec((DT, 1), lambda i: (0, 0)),
        ],
        out_specs=pl.BlockSpec((out_w, B), lambda i: (0, i)),
        out_shape=jax.ShapeDtypeStruct((out_w, E), jnp.float32),
    )(from2, to2, edge2.T, t.reshape(1, E),
      time_w.reshape(DT, 1), time_b.reshape(DT, 1))
    return out_t.T


def kernel(update_node_emb, edge_emb, from_idx, to_idx, t, time_w, time_b):
    N, D = update_node_emb.shape
    E, DE = edge_emb.shape
    DT = time_w.shape[0]
    out_w = D + DE + D + DT

    from2, to2 = _sc_gather(update_node_emb, from_idx.astype(jnp.int32),
                            to_idx.astype(jnp.int32))
    return _assemble_tc(from2, to2, edge_emb, t, time_w, time_b, out_w)

# --- scband reference (transcript-rebuilt; emitter-appended) ---
"""Pipeline reference for scband-event-emb-layer-46643344835308 (READ-ONLY COPY).

The authoritative reference and input builder live on the scoring server;
editing this copy changes nothing except your own understanding.
"""

import jax, jax.numpy as jnp
import numpy as np


def setup_inputs(seed: int = 0) -> dict:
    key = jax.random.key(seed)
    ks = jax.random.split(key, 7)
    N, E, D, DE, DT = 10000, 320000, 128, 16, 128
    return {
        "update_node_emb": jax.random.normal(ks[0], (N, D), dtype=jnp.float32),
        "edge_emb": jax.random.normal(ks[1], (E, DE), dtype=jnp.float32),
        "from_idx": jax.random.randint(ks[2], (E,), 0, N, dtype=jnp.int64 if jax.config.jax_enable_x64 else jnp.int32),
        "to_idx": jax.random.randint(ks[3], (E,), 0, N, dtype=jnp.int64 if jax.config.jax_enable_x64 else jnp.int32),
        "t": jax.random.uniform(ks[4], (E,), dtype=jnp.float32),
        "time_w": jax.random.normal(ks[5], (DT,), dtype=jnp.float32),
        "time_b": jax.random.normal(ks[6], (DT,), dtype=jnp.float32),
    }


def reference(update_node_emb, edge_emb, from_idx, to_idx, t, time_w, time_b):
    # from_emb = update_node_emb[from_idx]  (gather)
    from_emb = jnp.take(update_node_emb, from_idx, axis=0)
    # to_emb = update_node_emb[to_idx]  (gather)
    to_emb = jnp.take(update_node_emb, to_idx, axis=0)
    # time_encoder(t): standard TGN-style harmonic time encoding cos(t*w + b)
    time_emb = jnp.cos(t[:, None] * time_w[None, :] + time_b[None, :])
    # wot_EventEmbedding == False branch: concat all four components
    event_emb = jnp.concatenate([from_emb, edge_emb, to_emb, time_emb], axis=-1)
    return event_emb

if __name__ == "__main__":
    import jax
    _d = setup_inputs()
    print(jax.jit(kernel)(*tuple(_d.values())))

</pallas_src>

<mosaic_0001>
#map = affine_map<(d0, d1) -> (0, 0)>
#map1 = affine_map<(d0, d1) -> (0)>
module attributes {stable_mosaic.version = 14 : i64} {
  func.func @k(%arg0: i32, %arg1: i32, %arg2: memref<10000x128xf32, #tpu.memory_space<hbm>>, %arg3: memref<320000xi32, #tpu.memory_space<hbm>>, %arg4: memref<320000xi32, #tpu.memory_space<hbm>>, %arg5: memref<320000x128xf32, #tpu.memory_space<hbm>>, %arg6: memref<320000x128xf32, #tpu.memory_space<hbm>>, %arg7: memref<256xi32, #tpu.memory_space<vmem>>, %arg8: memref<256xi32, #tpu.memory_space<vmem>>, %arg9: memref<256x128xf32, #tpu.memory_space<vmem>>, %arg10: memref<256x128xf32, #tpu.memory_space<vmem>>, %arg11: memref<2x!tpu.dma_semaphore, #tpu.memory_space<semaphore_mem>>, %arg12: memref<2x!tpu.dma_semaphore, #tpu.memory_space<semaphore_mem>>, %arg13: memref<2x!tpu.dma_semaphore, #tpu.memory_space<semaphore_mem>>) attributes {dimension_semantics = [#tpu.dimension_semantics<core_parallel>, #tpu.dimension_semantics<subcore_parallel>], iteration_bounds = array<i64: 2, 16>, scalar_prefetch = 0 : i64, scratch_operands = 7 : i64, tpu.core_type = #tpu.core_type<sc_vector_subcore>, window_params = [{transform_indices = #map}, {transform_indices = #map1}, {transform_indices = #map1}, {transform_indices = #map}, {transform_indices = #map}]} {
    %mul3A = arith.constant 2 : i32
    %mul3A_0 = arith.muli %arg1, %mul3A : i32
    %add3A = arith.addi %mul3A_0, %arg0 : i32
    %scan3A = arith.constant 0 : i32
    %scan3A_1 = arith.constant 0 : i32
    %scan3A_2 = arith.constant 81 : i32
    %scan3A_3 = arith.addi %scan3A_1, %scan3A_2 : i32
    %scan3A_4 = arith.constant 1 : i32
    scf.for %scan3A_6 = %scan3A_1 to %scan3A_3 step %scan3A_4  : i32 {
      %sub3A = arith.constant 2 : i32
      %sub3A_7 = arith.subi %scan3A_6, %sub3A : i32
      %ge3A = arith.constant 0 : i32
      %ge3A_8 = arith.cmpi sge, %sub3A_7, %ge3A : i32
      %mul3A_9 = arith.constant 32 : i32
      %mul3A_10 = arith.muli %sub3A_7, %mul3A_9 : i32
      %add3A_11 = arith.addi %mul3A_10, %add3A : i32
      %lt3A = arith.constant 2500 : i32
      %lt3A_12 = arith.cmpi slt, %add3A_11, %lt3A : i32
      %and3A = arith.andi %ge3A_8, %lt3A_12 : i1
      %convert_element_type3A = arith.extui %and3A : i1 to i32
      %cond3A = arith.constant 0 : i32
      %cond3A_13 = arith.cmpi ne, %convert_element_type3A, %cond3A : i32
      scf.if %cond3A_13 {
        %sub3A_49 = arith.constant 2 : i32
        %sub3A_50 = arith.subi %scan3A_6, %sub3A_49 : i32
        %mul3A_51 = arith.constant 32 : i32
        %mul3A_52 = arith.muli %sub3A_50, %mul3A_51 : i32
        %add3A_53 = arith.addi %mul3A_52, %add3A : i32
        %mul3A_54 = arith.constant 128 : i32
        %mul3A_55 = arith.muli %add3A_53, %mul3A_54 : i32
        %jit3A = arith.constant 2 : i32
        %eq3A = arith.constant 0 : i32
        %eq3A_56 = arith.cmpi eq, %jit3A, %eq3A : i32
        %jit3A_57 = arith.constant 1 : i32
        %select_n3A = arith.select %eq3A_56, %jit3A_57, %jit3A : i32
        %rem3A = arith.remsi %sub3A_50, %select_n3A : i32
        %ne3A = arith.constant 0 : i32
        %ne3A_58 = arith.cmpi ne, %rem3A, %ne3A : i32
        %lt3A_59 = arith.constant 0 : i32
        %lt3A_60 = arith.cmpi slt, %rem3A, %lt3A_59 : i32
        %lt3A_61 = arith.constant 0 : i32
        %lt3A_62 = arith.cmpi slt, %select_n3A, %lt3A_61 : i32
        %ne3A_63 = arith.xori %lt3A_60, %lt3A_62 : i1
        %and3A_64 = arith.andi %ne3A_63, %ne3A_58 : i1
        %add3A_65 = arith.addi %rem3A, %select_n3A : i32
        %select_n3A_66 = arith.select %and3A_64, %add3A_65, %rem3A : i32
        %mul3A_67 = arith.constant 128 : i32
        %mul3A_68 = arith.muli %select_n3A_66, %mul3A_67 : i32
        %dma_wait3A = arith.constant 0 : i32
        %dma_wait3A_69 = tpu.memref_slice %arg9[%mul3A_68, %dma_wait3A] : memref<256x128xf32, #tpu.memory_space<vmem>> -> memref<128x128xf32, #tpu.memory_space<vmem>>
        %dma_wait3A_70 = arith.constant 0 : i32
        %dma_wait3A_71 = tpu.memref_slice %arg5[%mul3A_55, %dma_wait3A_70] : memref<320000x128xf32, #tpu.memory_space<hbm>> -> memref<128x128xf32, #tpu.memory_space<hbm>>
        %dma_wait3A_72 = tpu.memref_slice %arg13[%select_n3A_66] : memref<2x!tpu.dma_semaphore, #tpu.memory_space<semaphore_mem>> -> memref<1x!tpu.dma_semaphore, #tpu.memory_space<semaphore_mem>>
        %dma_wait3A_73 = tpu.memref_squeeze %dma_wait3A_72 : memref<1x!tpu.dma_semaphore, #tpu.memory_space<semaphore_mem>> -> memref<!tpu.dma_semaphore, #tpu.memory_space<semaphore_mem>>
        %dma_wait3A_74 = arith.constant 0 : i32
        %dma_wait3A_75 = tpu.memref_slice %arg5[%mul3A_55, %dma_wait3A_74] : memref<320000x128xf32, #tpu.memory_space<hbm>> -> memref<128x128xf32, #tpu.memory_space<hbm>>
        %dma_wait3A_76 = arith.constant 0 : i32
        %dma_wait3A_77 = tpu.memref_slice %arg9[%mul3A_68, %dma_wait3A_76] : memref<256x128xf32, #tpu.memory_space<vmem>> -> memref<128x128xf32, #tpu.memory_space<vmem>>
        tpu.wait_dma2 semaphore(%dma_wait3A_73 : memref<!tpu.dma_semaphore, #tpu.memory_space<semaphore_mem>>) src(%dma_wait3A_77 : memref<128x128xf32, #tpu.memory_space<vmem>>) dst(%dma_wait3A_75 : memref<128x128xf32, #tpu.memory_space<hbm>>)
        %mul3A_78 = arith.constant 128 : i32
        %mul3A_79 = arith.muli %select_n3A_66, %mul3A_78 : i32
        %dma_wait3A_80 = arith.constant 0 : i32
        %dma_wait3A_81 = tpu.memref_slice %arg10[%mul3A_79, %dma_wait3A_80] : memref<256x128xf32, #tpu.memory_space<vmem>> -> memref<128x128xf32, #tpu.memory_space<vmem>>
        %dma_wait3A_82 = arith.constant 0 : i32
        %dma_wait3A_83 = tpu.memref_slice %arg6[%mul3A_55, %dma_wait3A_82] : memref<320000x128xf32, #tpu.memory_space<hbm>> -> memref<128x128xf32, #tpu.memory_space<hbm>>
        %dma_wait3A_84 = tpu.memref_slice %arg13[%select_n3A_66] : memref<2x!tpu.dma_semaphore, #tpu.memory_space<semaphore_mem>> -> memref<1x!tpu.dma_semaphore, #tpu.memory_space<semaphore_mem>>
        %dma_wait3A_85 = tpu.memref_squeeze %dma_wait3A_84 : memref<1x!tpu.dma_semaphore, #tpu.memory_space<semaphore_mem>> -> memref<!tpu.dma_semaphore, #tpu.memory_space<semaphore_mem>>
        %dma_wait3A_86 = arith.constant 0 : i32
        %dma_wait3A_87 = tpu.memref_slice %arg6[%mul3A_55, %dma_wait3A_86] : memref<320000x128xf32, #tpu.memory_space<hbm>> -> memref<128x128xf32, #tpu.memory_space<hbm>>
        %dma_wait3A_88 = arith.constant 0 : i32
        %dma_wait3A_89 = tpu.memref_slice %arg10[%mul3A_79, %dma_wait3A_88] : memref<256x128xf32, #tpu.memory_space<vmem>> -> memref<128x128xf32, #tpu.memory_space<vmem>>
        tpu.wait_dma2 semaphore(%dma_wait3A_85 : memref<!tpu.dma_semaphore, #tpu.memory_space<semaphore_mem>>) src(%dma_wait3A_89 : memref<128x128xf32, #tpu.memory_space<vmem>>) dst(%dma_wait3A_87 : memref<128x128xf32, #tpu.memory_space<hbm>>)
      } else {
      }
      %ge3A_14 = arith.constant 0 : i32
      %ge3A_15 = arith.cmpi sge, %scan3A_6, %ge3A_14 : i32
      %mul3A_16 = arith.constant 32 : i32
      %mul3A_17 = arith.muli %scan3A_6, %mul3A_16 : i32
      %add3A_18 = arith.addi %mul3A_17, %add3A : i32
      %lt3A_19 = arith.constant 2500 : i32
      %lt3A_20 = arith.cmpi slt, %add3A_18, %lt3A_19 : i32
      %and3A_21 = arith.andi %ge3A_15, %lt3A_20 : i1
      %convert_element_type3A_22 = arith.extui %and3A_21 : i1 to i32
      %cond3A_23 = arith.constant 0 : i32
      %cond3A_24 = arith.cmpi ne, %convert_element_type3A_22, %cond3A_23 : i32
      scf.if %cond3A_24 {
        %mul3A_49 = arith.constant 32 : i32
        %mul3A_50 = arith.muli %scan3A_6, %mul3A_49 : i32
        %add3A_51 = arith.addi %mul3A_50, %add3A : i32
        %mul3A_52 = arith.constant 128 : i32
        %mul3A_53 = arith.muli %add3A_51, %mul3A_52 : i32
        %jit3A = arith.constant 2 : i32
        %eq3A = arith.constant 0 : i32
        %eq3A_54 = arith.cmpi eq, %jit3A, %eq3A : i32
        %jit3A_55 = arith.constant 1 : i32
        %select_n3A = arith.select %eq3A_54, %jit3A_55, %jit3A : i32
        %rem3A = arith.remsi %scan3A_6, %select_n3A : i32
        %ne3A = arith.constant 0 : i32
        %ne3A_56 = arith.cmpi ne, %rem3A, %ne3A : i32
        %lt3A_57 = arith.constant 0 : i32
        %lt3A_58 = arith.cmpi slt, %rem3A, %lt3A_57 : i32
        %lt3A_59 = arith.constant 0 : i32
        %lt3A_60 = arith.cmpi slt, %select_n3A, %lt3A_59 : i32
        %ne3A_61 = arith.xori %lt3A_58, %lt3A_60 : i1
        %and3A_62 = arith.andi %ne3A_61, %ne3A_56 : i1
        %add3A_63 = arith.addi %rem3A, %select_n3A : i32
        %select_n3A_64 = arith.select %and3A_62, %add3A_63, %rem3A : i32
        %mul3A_65 = arith.constant 128 : i32
        %mul3A_66 = arith.muli %select_n3A_64, %mul3A_65 : i32
        %dma_start3A = tpu.memref_slice %arg7[%mul3A_66] : memref<256xi32, #tpu.memory_space<vmem>> -> memref<128xi32, #tpu.memory_space<vmem>>
        %dma_start3A_67 = tpu.memref_slice %arg3[%mul3A_53] : memref<320000xi32, #tpu.memory_space<hbm>> -> memref<128xi32, #tpu.memory_space<hbm>>
        %dma_start3A_68 = tpu.memref_slice %arg11[%select_n3A_64] : memref<2x!tpu.dma_semaphore, #tpu.memory_space<semaphore_mem>> -> memref<1x!tpu.dma_semaphore, #tpu.memory_space<semaphore_mem>>
        %dma_start3A_69 = tpu.memref_squeeze %dma_start3A_68 : memref<1x!tpu.dma_semaphore, #tpu.memory_space<semaphore_mem>> -> memref<!tpu.dma_semaphore, #tpu.memory_space<semaphore_mem>>
        %dma_start3A_70 = tpu.memref_slice %arg7[%mul3A_66] : memref<256xi32, #tpu.memory_space<vmem>> -> memref<128xi32, #tpu.memory_space<vmem>>
        %dma_start3A_71 = tpu.memref_slice %arg3[%mul3A_53] : memref<320000xi32, #tpu.memory_space<hbm>> -> memref<128xi32, #tpu.memory_space<hbm>>
        tpu.enqueue_dma source(%dma_start3A_71 : memref<128xi32, #tpu.memory_space<hbm>>) target(%dma_start3A_70 : memref<128xi32, #tpu.memory_space<vmem>>) target_semaphore(%dma_start3A_69 : memref<!tpu.dma_semaphore, #tpu.memory_space<semaphore_mem>>)
        %mul3A_72 = arith.constant 128 : i32
        %mul3A_73 = arith.muli %select_n3A_64, %mul3A_72 : i32
        %dma_start3A_74 = tpu.memref_slice %arg8[%mul3A_73] : memref<256xi32, #tpu.memory_space<vmem>> -> memref<128xi32, #tpu.memory_space<vmem>>
        %dma_start3A_75 = tpu.memref_slice %arg4[%mul3A_53] : memref<320000xi32, #tpu.memory_space<hbm>> -> memref<128xi32, #tpu.memory_space<hbm>>
        %dma_start3A_76 = tpu.memref_slice %arg11[%select_n3A_64] : memref<2x!tpu.dma_semaphore, #tpu.memory_space<semaphore_mem>> -> memref<1x!tpu.dma_semaphore, #tpu.memory_space<semaphore_mem>>
        %dma_start3A_77 = tpu.memref_squeeze %dma_start3A_76 : memref<1x!tpu.dma_semaphore, #tpu.memory_space<semaphore_mem>> -> memref<!tpu.dma_semaphore, #tpu.memory_space<semaphore_mem>>
        %dma_start3A_78 = tpu.memref_slice %arg8[%mul3A_73] : memref<256xi32, #tpu.memory_space<vmem>> -> memref<128xi32, #tpu.memory_space<vmem>>
        %dma_start3A_79 = tpu.memref_slice %arg4[%mul3A_53] : memref<320000xi32, #tpu.memory_space<hbm>> -> memref<128xi32, #tpu.memory_space<hbm>>
        tpu.enqueue_dma source(%dma_start3A_79 : memref<128xi32, #tpu.memory_space<hbm>>) target(%dma_start3A_78 : memref<128xi32, #tpu.memory_space<vmem>>) target_semaphore(%dma_start3A_77 : memref<!tpu.dma_semaphore, #tpu.memory_space<semaphore_mem>>)
      } else {
      }
      %sub3A_25 = arith.constant 1 : i32
      %sub3A_26 = arith.subi %scan3A_6, %sub3A_25 : i32
      %ge3A_27 = arith.constant 0 : i32
      %ge3A_28 = arith.cmpi sge, %sub3A_26, %ge3A_27 : i32
      %mul3A_29 = arith.constant 32 : i32
      %mul3A_30 = arith.muli %sub3A_26, %mul3A_29 : i32
      %add3A_31 = arith.addi %mul3A_30, %add3A : i32
      %lt3A_32 = arith.constant 2500 : i32
      %lt3A_33 = arith.cmpi slt, %add3A_31, %lt3A_32 : i32
      %and3A_34 = arith.andi %ge3A_28, %lt3A_33 : i1
      %convert_element_type3A_35 = arith.extui %and3A_34 : i1 to i32
      %cond3A_36 = arith.constant 0 : i32
      %cond3A_37 = arith.cmpi ne, %convert_element_type3A_35, %cond3A_36 : i32
      scf.if %cond3A_37 {
        %sub3A_49 = arith.constant 1 : i32
        %sub3A_50 = arith.subi %scan3A_6, %sub3A_49 : i32
        %mul3A_51 = arith.constant 32 : i32
        %mul3A_52 = arith.muli %sub3A_50, %mul3A_51 : i32
        %add3A_53 = arith.addi %mul3A_52, %add3A : i32
        %mul3A_54 = arith.constant 128 : i32
        %mul3A_55 = arith.muli %add3A_53, %mul3A_54 : i32
        %jit3A = arith.constant 2 : i32
        %eq3A = arith.constant 0 : i32
        %eq3A_56 = arith.cmpi eq, %jit3A, %eq3A : i32
        %jit3A_57 = arith.constant 1 : i32
        %select_n3A = arith.select %eq3A_56, %jit3A_57, %jit3A : i32
        %rem3A = arith.remsi %sub3A_50, %select_n3A : i32
        %ne3A = arith.constant 0 : i32
        %ne3A_58 = arith.cmpi ne, %rem3A, %ne3A : i32
        %lt3A_59 = arith.constant 0 : i32
        %lt3A_60 = arith.cmpi slt, %rem3A, %lt3A_59 : i32
        %lt3A_61 = arith.constant 0 : i32
        %lt3A_62 = arith.cmpi slt, %select_n3A, %lt3A_61 : i32
        %ne3A_63 = arith.xori %lt3A_60, %lt3A_62 : i1
        %and3A_64 = arith.andi %ne3A_63, %ne3A_58 : i1
        %add3A_65 = arith.addi %rem3A, %select_n3A : i32
        %select_n3A_66 = arith.select %and3A_64, %add3A_65, %rem3A : i32
        %mul3A_67 = arith.constant 128 : i32
        %mul3A_68 = arith.muli %select_n3A_66, %mul3A_67 : i32
        %mul3A_69 = arith.constant 128 : i32
        %mul3A_70 = arith.muli %select_n3A_66, %mul3A_69 : i32
        %dma_wait3A = arith.constant 0 : i32
        %dma_wait3A_71 = tpu.memref_slice %arg9[%mul3A_70, %dma_wait3A] : memref<256x128xf32, #tpu.memory_space<vmem>> -> memref<128x128xf32, #tpu.memory_space<vmem>>
        %dma_wait3A_72 = tpu.memref_slice %arg7[%mul3A_68] : memref<256xi32, #tpu.memory_space<vmem>> -> memref<128xi32, #tpu.memory_space<vmem>>
        %dma_wait3A_73 = arith.constant 0 : i32
        %dma_wait3A_74 = arith.constant 0 : i32
        %dma_wait3A_75 = tpu.memref_slice %arg2[%dma_wait3A_73, %dma_wait3A_74] : memref<10000x128xf32, #tpu.memory_space<hbm>> -> memref<10000x128xf32, #tpu.memory_space<hbm>>
        %dma_wait3A_76 = tpu.memref_slice %arg12[%select_n3A_66] : memref<2x!tpu.dma_semaphore, #tpu.memory_space<semaphore_mem>> -> memref<1x!tpu.dma_semaphore, #tpu.memory_space<semaphore_mem>>
        %dma_wait3A_77 = tpu.memref_squeeze %dma_wait3A_76 : memref<1x!tpu.dma_semaphore, #tpu.memory_space<semaphore_mem>> -> memref<!tpu.dma_semaphore, #tpu.memory_space<semaphore_mem>>
        tpu.wait_indirect_dma semaphore(%dma_wait3A_77 : memref<!tpu.dma_semaphore, #tpu.memory_space<semaphore_mem>>) src(%dma_wait3A_75 : memref<10000x128xf32, #tpu.memory_space<hbm>>) dst(%dma_wait3A_71 : memref<128x128xf32, #tpu.memory_space<vmem>>)
        %mul3A_78 = arith.constant 128 : i32
        %mul3A_79 = arith.muli %select_n3A_66, %mul3A_78 : i32
        %mul3A_80 = arith.constant 128 : i32
        %mul3A_81 = arith.muli %select_n3A_66, %mul3A_80 : i32
        %dma_wait3A_82 = arith.constant 0 : i32
        %dma_wait3A_83 = tpu.memref_slice %arg10[%mul3A_81, %dma_wait3A_82] : memref<256x128xf32, #tpu.memory_space<vmem>> -> memref<128x128xf32, #tpu.memory_space<vmem>>
        %dma_wait3A_84 = tpu.memref_slice %arg8[%mul3A_79] : memref<256xi32, #tpu.memory_space<vmem>> -> memref<128xi32, #tpu.memory_space<vmem>>
        %dma_wait3A_85 = arith.constant 0 : i32
        %dma_wait3A_86 = arith.constant 0 : i32
        %dma_wait3A_87 = tpu.memref_slice %arg2[%dma_wait3A_85, %dma_wait3A_86] : memref<10000x128xf32, #tpu.memory_space<hbm>> -> memref<10000x128xf32, #tpu.memory_space<hbm>>
        %dma_wait3A_88 = tpu.memref_slice %arg12[%select_n3A_66] : memref<2x!tpu.dma_semaphore, #tpu.memory_space<semaphore_mem>> -> memref<1x!tpu.dma_semaphore, #tpu.memory_space<semaphore_mem>>
        %dma_wait3A_89 = tpu.memref_squeeze %dma_wait3A_88 : memref<1x!tpu.dma_semaphore, #tpu.memory_space<semaphore_mem>> -> memref<!tpu.dma_semaphore, #tpu.memory_space<semaphore_mem>>
        tpu.wait_indirect_dma semaphore(%dma_wait3A_89 : memref<!tpu.dma_semaphore, #tpu.memory_space<semaphore_mem>>) src(%dma_wait3A_87 : memref<10000x128xf32, #tpu.memory_space<hbm>>) dst(%dma_wait3A_83 : memref<128x128xf32, #tpu.memory_space<vmem>>)
        %mul3A_90 = arith.constant 128 : i32
        %mul3A_91 = arith.muli %select_n3A_66, %mul3A_90 : i32
        %dma_start3A = arith.constant 0 : i32
        %dma_start3A_92 = tpu.memref_slice %arg9[%mul3A_91, %dma_start3A] : memref<256x128xf32, #tpu.memory_space<vmem>> -> memref<128x128xf32, #tpu.memory_space<vmem>>
        %dma_start3A_93 = arith.constant 0 : i32
        %dma_start3A_94 = tpu.memref_slice %arg5[%mul3A_55, %dma_start3A_93] : memref<320000x128xf32, #tpu.memory_space<hbm>> -> memref<128x128xf32, #tpu.memory_space<hbm>>
        %dma_start3A_95 = tpu.memref_slice %arg13[%select_n3A_66] : memref<2x!tpu.dma_semaphore, #tpu.memory_space<semaphore_mem>> -> memref<1x!tpu.dma_semaphore, #tpu.memory_space<semaphore_mem>>
        %dma_start3A_96 = tpu.memref_squeeze %dma_start3A_95 : memref<1x!tpu.dma_semaphore, #tpu.memory_space<semaphore_mem>> -> memref<!tpu.dma_semaphore, #tpu.memory_space<semaphore_mem>>
        %dma_start3A_97 = arith.constant 0 : i32
        %dma_start3A_98 = tpu.memref_slice %arg5[%mul3A_55, %dma_start3A_97] : memref<320000x128xf32, #tpu.memory_space<hbm>> -> memref<128x128xf32, #tpu.memory_space<hbm>>
        %dma_start3A_99 = arith.constant 0 : i32
        %dma_start3A_100 = tpu.memref_slice %arg9[%mul3A_91, %dma_start3A_99] : memref<256x128xf32, #tpu.memory_space<vmem>> -> memref<128x128xf32, #tpu.memory_space<vmem>>
        tpu.enqueue_dma source(%dma_start3A_100 : memref<128x128xf32, #tpu.memory_space<vmem>>) target(%dma_start3A_98 : memref<128x128xf32, #tpu.memory_space<hbm>>) target_semaphore(%dma_start3A_96 : memref<!tpu.dma_semaphore, #tpu.memory_space<semaphore_mem>>)
        %mul3A_101 = arith.constant 128 : i32
        %mul3A_102 = arith.muli %select_n3A_66, %mul3A_101 : i32
        %dma_start3A_103 = arith.constant 0 : i32
        %dma_start3A_104 = tpu.memref_slice %arg10[%mul3A_102, %dma_start3A_103] : memref<256x128xf32, #tpu.memory_space<vmem>> -> memref<128x128xf32, #tpu.memory_space<vmem>>
        %dma_start3A_105 = arith.constant 0 : i32
        %dma_start3A_106 = tpu.memref_slice %arg6[%mul3A_55, %dma_start3A_105] : memref<320000x128xf32, #tpu.memory_space<hbm>> -> memref<128x128xf32, #tpu.memory_space<hbm>>
        %dma_start3A_107 = tpu.memref_slice %arg13[%select_n3A_66] : memref<2x!tpu.dma_semaphore, #tpu.memory_space<semaphore_mem>> -> memref<1x!tpu.dma_semaphore, #tpu.memory_space<semaphore_mem>>
        %dma_start3A_108 = tpu.memref_squeeze %dma_start3A_107 : memref<1x!tpu.dma_semaphore, #tpu.memory_space<semaphore_mem>> -> memref<!tpu.dma_semaphore, #tpu.memory_space<semaphore_mem>>
        %dma_start3A_109 = arith.constant 0 : i32
        %dma_start3A_110 = tpu.memref_slice %arg6[%mul3A_55, %dma_start3A_109] : memref<320000x128xf32, #tpu.memory_space<hbm>> -> memref<128x128xf32, #tpu.memory_space<hbm>>
        %dma_start3A_111 = arith.constant 0 : i32
        %dma_start3A_112 = tpu.memref_slice %arg10[%mul3A_102, %dma_start3A_111] : memref<256x128xf32, #tpu.memory_space<vmem>> -> memref<128x128xf32, #tpu.memory_space<vmem>>
        tpu.enqueue_dma source(%dma_start3A_112 : memref<128x128xf32, #tpu.memory_space<vmem>>) target(%dma_start3A_110 : memref<128x128xf32, #tpu.memory_space<hbm>>) target_semaphore(%dma_start3A_108 : memref<!tpu.dma_semaphore, #tpu.memory_space<semaphore_mem>>)
      } else {
      }
      %ge3A_38 = arith.constant 0 : i32
      %ge3A_39 = arith.cmpi sge, %scan3A_6, %ge3A_38 : i32
      %mul3A_40 = arith.constant 32 : i32
      %mul3A_41 = arith.muli %scan3A_6, %mul3A_40 : i32
      %add3A_42 = arith.addi %mul3A_41, %add3A : i32
      %lt3A_43 = arith.constant 2500 : i32
      %lt3A_44 = arith.cmpi slt, %add3A_42, %lt3A_43 : i32
      %and3A_45 = arith.andi %ge3A_39, %lt3A_44 : i1
      %convert_element_type3A_46 = arith.extui %and3A_45 : i1 to i32
      %cond3A_47 = arith.constant 0 : i32
      %cond3A_48 = arith.cmpi ne, %convert_element_type3A_46, %cond3A_47 : i32
      scf.if %cond3A_48 {
        %mul3A_49 = arith.constant 32 : i32
        %mul3A_50 = arith.muli %scan3A_6, %mul3A_49 : i32
        %add3A_51 = arith.addi %mul3A_50, %add3A : i32
        %mul3A_52 = arith.constant 128 : i32
        %mul3A_53 = arith.muli %add3A_51, %mul3A_52 : i32
        %jit3A = arith.constant 2 : i32
        %eq3A = arith.constant 0 : i32
        %eq3A_54 = arith.cmpi eq, %jit3A, %eq3A : i32
        %jit3A_55 = arith.constant 1 : i32
        %select_n3A = arith.select %eq3A_54, %jit3A_55, %jit3A : i32
        %rem3A = arith.remsi %scan3A_6, %select_n3A : i32
        %ne3A = arith.constant 0 : i32
        %ne3A_56 = arith.cmpi ne, %rem3A, %ne3A : i32
        %lt3A_57 = arith.constant 0 : i32
        %lt3A_58 = arith.cmpi slt, %rem3A, %lt3A_57 : i32
        %lt3A_59 = arith.constant 0 : i32
        %lt3A_60 = arith.cmpi slt, %select_n3A, %lt3A_59 : i32
        %ne3A_61 = arith.xori %lt3A_58, %lt3A_60 : i1
        %and3A_62 = arith.andi %ne3A_61, %ne3A_56 : i1
        %add3A_63 = arith.addi %rem3A, %select_n3A : i32
        %select_n3A_64 = arith.select %and3A_62, %add3A_63, %rem3A : i32
        %mul3A_65 = arith.constant 128 : i32
        %mul3A_66 = arith.muli %select_n3A_64, %mul3A_65 : i32
        %dma_wait3A = tpu.memref_slice %arg7[%mul3A_66] : memref<256xi32, #tpu.memory_space<vmem>> -> memref<128xi32, #tpu.memory_space<vmem>>
        %dma_wait3A_67 = tpu.memref_slice %arg3[%mul3A_53] : memref<320000xi32, #tpu.memory_space<hbm>> -> memref<128xi32, #tpu.memory_space<hbm>>
        %dma_wait3A_68 = tpu.memref_slice %arg11[%select_n3A_64] : memref<2x!tpu.dma_semaphore, #tpu.memory_space<semaphore_mem>> -> memref<1x!tpu.dma_semaphore, #tpu.memory_space<semaphore_mem>>
        %dma_wait3A_69 = tpu.memref_squeeze %dma_wait3A_68 : memref<1x!tpu.dma_semaphore, #tpu.memory_space<semaphore_mem>> -> memref<!tpu.dma_semaphore, #tpu.memory_space<semaphore_mem>>
        %dma_wait3A_70 = tpu.memref_slice %arg7[%mul3A_66] : memref<256xi32, #tpu.memory_space<vmem>> -> memref<128xi32, #tpu.memory_space<vmem>>
        %dma_wait3A_71 = tpu.memref_slice %arg3[%mul3A_53] : memref<320000xi32, #tpu.memory_space<hbm>> -> memref<128xi32, #tpu.memory_space<hbm>>
        tpu.wait_dma2 semaphore(%dma_wait3A_69 : memref<!tpu.dma_semaphore, #tpu.memory_space<semaphore_mem>>) src(%dma_wait3A_71 : memref<128xi32, #tpu.memory_space<hbm>>) dst(%dma_wait3A_70 : memref<128xi32, #tpu.memory_space<vmem>>)
        %mul3A_72 = arith.constant 128 : i32
        %mul3A_73 = arith.muli %select_n3A_64, %mul3A_72 : i32
        %dma_wait3A_74 = tpu.memref_slice %arg8[%mul3A_73] : memref<256xi32, #tpu.memory_space<vmem>> -> memref<128xi32, #tpu.memory_space<vmem>>
        %dma_wait3A_75 = tpu.memref_slice %arg4[%mul3A_53] : memref<320000xi32, #tpu.memory_space<hbm>> -> memref<128xi32, #tpu.memory_space<hbm>>
        %dma_wait3A_76 = tpu.memref_slice %arg11[%select_n3A_64] : memref<2x!tpu.dma_semaphore, #tpu.memory_space<semaphore_mem>> -> memref<1x!tpu.dma_semaphore, #tpu.memory_space<semaphore_mem>>
        %dma_wait3A_77 = tpu.memref_squeeze %dma_wait3A_76 : memref<1x!tpu.dma_semaphore, #tpu.memory_space<semaphore_mem>> -> memref<!tpu.dma_semaphore, #tpu.memory_space<semaphore_mem>>
        %dma_wait3A_78 = tpu.memref_slice %arg8[%mul3A_73] : memref<256xi32, #tpu.memory_space<vmem>> -> memref<128xi32, #tpu.memory_space<vmem>>
        %dma_wait3A_79 = tpu.memref_slice %arg4[%mul3A_53] : memref<320000xi32, #tpu.memory_space<hbm>> -> memref<128xi32, #tpu.memory_space<hbm>>
        tpu.wait_dma2 semaphore(%dma_wait3A_77 : memref<!tpu.dma_semaphore, #tpu.memory_space<semaphore_mem>>) src(%dma_wait3A_79 : memref<128xi32, #tpu.memory_space<hbm>>) dst(%dma_wait3A_78 : memref<128xi32, #tpu.memory_space<vmem>>)
        %mul3A_80 = arith.constant 128 : i32
        %mul3A_81 = arith.muli %select_n3A_64, %mul3A_80 : i32
        %mul3A_82 = arith.constant 128 : i32
        %mul3A_83 = arith.muli %select_n3A_64, %mul3A_82 : i32
        %dma_start3A = arith.constant 0 : i32
        %dma_start3A_84 = tpu.memref_slice %arg9[%mul3A_83, %dma_start3A] : memref<256x128xf32, #tpu.memory_space<vmem>> -> memref<128x128xf32, #tpu.memory_space<vmem>>
        %dma_start3A_85 = tpu.memref_slice %arg7[%mul3A_81] : memref<256xi32, #tpu.memory_space<vmem>> -> memref<128xi32, #tpu.memory_space<vmem>>
        %dma_start3A_86 = arith.constant 0 : i32
        %dma_start3A_87 = arith.constant 0 : i32
        %dma_start3A_88 = tpu.memref_slice %arg2[%dma_start3A_86, %dma_start3A_87] : memref<10000x128xf32, #tpu.memory_space<hbm>> -> memref<10000x128xf32, #tpu.memory_space<hbm>>
        %dma_start3A_89 = tpu.memref_slice %arg12[%select_n3A_64] : memref<2x!tpu.dma_semaphore, #tpu.memory_space<semaphore_mem>> -> memref<1x!tpu.dma_semaphore, #tpu.memory_space<semaphore_mem>>
        %dma_start3A_90 = tpu.memref_squeeze %dma_start3A_89 : memref<1x!tpu.dma_semaphore, #tpu.memory_space<semaphore_mem>> -> memref<!tpu.dma_semaphore, #tpu.memory_space<semaphore_mem>>
        tpu.enqueue_indirect_dma source(%dma_start3A_88 : memref<10000x128xf32, #tpu.memory_space<hbm>>) target(%dma_start3A_84 : memref<128x128xf32, #tpu.memory_space<vmem>>) offsets(%dma_start3A_85 : memref<128xi32, #tpu.memory_space<vmem>>) semaphore(%dma_start3A_90 : memref<!tpu.dma_semaphore, #tpu.memory_space<semaphore_mem>>)
        %mul3A_91 = arith.constant 128 : i32
        %mul3A_92 = arith.muli %select_n3A_64, %mul3A_91 : i32
        %mul3A_93 = arith.constant 128 : i32
        %mul3A_94 = arith.muli %select_n3A_64, %mul3A_93 : i32
        %dma_start3A_95 = arith.constant 0 : i32
        %dma_start3A_96 = tpu.memref_slice %arg10[%mul3A_94, %dma_start3A_95] : memref<256x128xf32, #tpu.memory_space<vmem>> -> memref<128x128xf32, #tpu.memory_space<vmem>>
        %dma_start3A_97 = tpu.memref_slice %arg8[%mul3A_92] : memref<256xi32, #tpu.memory_space<vmem>> -> memref<128xi32, #tpu.memory_space<vmem>>
        %dma_start3A_98 = arith.constant 0 : i32
        %dma_start3A_99 = arith.constant 0 : i32
        %dma_start3A_100 = tpu.memref_slice %arg2[%dma_start3A_98, %dma_start3A_99] : memref<10000x128xf32, #tpu.memory_space<hbm>> -> memref<10000x128xf32, #tpu.memory_space<hbm>>
        %dma_start3A_101 = tpu.memref_slice %arg12[%select_n3A_64] : memref<2x!tpu.dma_semaphore, #tpu.memory_space<semaphore_mem>> -> memref<1x!tpu.dma_semaphore, #tpu.memory_space<semaphore_mem>>
        %dma_start3A_102 = tpu.memref_squeeze %dma_start3A_101 : memref<1x!tpu.dma_semaphore, #tpu.memory_space<semaphore_mem>> -> memref<!tpu.dma_semaphore, #tpu.memory_space<semaphore_mem>>
        tpu.enqueue_indirect_dma source(%dma_start3A_100 : memref<10000x128xf32, #tpu.memory_space<hbm>>) target(%dma_start3A_96 : memref<128x128xf32, #tpu.memory_space<vmem>>) offsets(%dma_start3A_97 : memref<128xi32, #tpu.memory_space<vmem>>) semaphore(%dma_start3A_102 : memref<!tpu.dma_semaphore, #tpu.memory_space<semaphore_mem>>)
      } else {
      }
    }
    %scan3A_5 = arith.constant 81 : i32
    return
  }
}

module attributes {stable_mosaic.version = 14 : i64} {
  func.func @body(%arg0: i32, %arg1: memref<2560x128xf32, #tpu.memory_space<vmem>>, %arg2: memref<2560x128xf32, #tpu.memory_space<vmem>>, %arg3: memref<16x2560xf32, #tpu.memory_space<vmem>>, %arg4: memref<1x2560xf32, #tpu.memory_space<vmem>>, %arg5: memref<128x1xf32, #tpu.memory_space<vmem>>, %arg6: memref<128x1xf32, #tpu.memory_space<vmem>>, %arg7: memref<400x2560xf32, #tpu.memory_space<vmem>>) attributes {dimension_semantics = [#tpu.dimension_semantics<arbitrary>], iteration_bounds = array<i64: 125>, scalar_prefetch = 0 : i64, scratch_operands = 0 : i64, tpu.core_type = #tpu.core_type<tc>, window_params = [{transform_indices = @transform_0, window_bounds = array<i64: 2560, 128>}, {transform_indices = @transform_1, window_bounds = array<i64: 2560, 128>}, {transform_indices = @transform_2, window_bounds = array<i64: 16, 2560>}, {transform_indices = @transform_3, window_bounds = array<i64: 1, 2560>}, {pipeline_mode = #tpu.pipeline_mode<synchronous>, transform_indices = @transform_4, window_bounds = array<i64: 128, 1>}, {pipeline_mode = #tpu.pipeline_mode<synchronous>, transform_indices = @transform_5, window_bounds = array<i64: 128, 1>}, {transform_indices = @transform_6, window_bounds = array<i64: 400, 2560>}]} {
    %get3A = arith.constant 0 : index
    %get3A_0 = arith.constant 0 : index
    %get3A_1 = vector.load %arg5[%get3A, %get3A_0] : memref<128x1xf32, #tpu.memory_space<vmem>>, vector<128x1xf32>
    %get3A_2 = arith.constant 0 : index
    %get3A_3 = arith.constant 0 : index
    %get3A_4 = vector.load %arg4[%get3A_2, %get3A_3] : memref<1x2560xf32, #tpu.memory_space<vmem>>, vector<1x2560xf32>
    %mul3A = vector.broadcast %get3A_1 : vector<128x1xf32> to vector<128x2560xf32>
    %mul3A_5 = vector.broadcast %get3A_4 : vector<1x2560xf32> to vector<128x2560xf32>
    %mul3A_6 = arith.mulf %mul3A, %mul3A_5 : vector<128x2560xf32>
    %get3A_7 = arith.constant 0 : index
    %get3A_8 = arith.constant 0 : index
    %get3A_9 = vector.load %arg6[%get3A_7, %get3A_8] : memref<128x1xf32, #tpu.memory_space<vmem>>, vector<128x1xf32>
    %add3A = vector.broadcast %get3A_9 : vector<128x1xf32> to vector<128x2560xf32>
    %add3A_10 = arith.addf %mul3A_6, %add3A : vector<128x2560xf32>
    %mul3A_11 = arith.constant 0.159154937 : f32
    %mul3A_12 = vector.broadcast %mul3A_11 : f32 to vector<128x2560xf32>
    %mul3A_13 = arith.mulf %add3A_10, %mul3A_12 : vector<128x2560xf32>
    %add3A_14 = arith.constant 5.000000e-01 : f32
    %add3A_15 = vector.broadcast %add3A_14 : f32 to vector<128x2560xf32>
    %add3A_16 = arith.addf %mul3A_13, %add3A_15 : vector<128x2560xf32>
    %floor3A = math.floor %add3A_16 : vector<128x2560xf32>
    %mul3A_17 = arith.constant 6.28318548 : f32
    %mul3A_18 = vector.broadcast %mul3A_17 : f32 to vector<128x2560xf32>
    %mul3A_19 = arith.mulf %floor3A, %mul3A_18 : vector<128x2560xf32>
    %sub3A = arith.subf %add3A_10, %mul3A_19 : vector<128x2560xf32>
    %mul3A_20 = arith.mulf %sub3A, %sub3A : vector<128x2560xf32>
    %mul3A_21 = arith.constant -2.21939501E-7 : f32
    %mul3A_22 = vector.broadcast %mul3A_21 : f32 to vector<128x2560xf32>
    %mul3A_23 = arith.mulf %mul3A_22, %mul3A_20 : vector<128x2560xf32>
    %add3A_24 = arith.constant 2.42531933E-5 : f32
    %add3A_25 = vector.broadcast %add3A_24 : f32 to vector<128x2560xf32>
    %add3A_26 = arith.addf %mul3A_23, %add3A_25 : vector<128x2560xf32>
    %mul3A_27 = arith.mulf %add3A_26, %mul3A_20 : vector<128x2560xf32>
    %add3A_28 = arith.constant -0.0013862747 : f32
    %add3A_29 = vector.broadcast %add3A_28 : f32 to vector<128x2560xf32>
    %add3A_30 = arith.addf %mul3A_27, %add3A_29 : vector<128x2560xf32>
    %mul3A_31 = arith.mulf %add3A_30, %mul3A_20 : vector<128x2560xf32>
    %add3A_32 = arith.constant 0.0416610315 : f32
    %add3A_33 = vector.broadcast %add3A_32 : f32 to vector<128x2560xf32>
    %add3A_34 = arith.addf %mul3A_31, %add3A_33 : vector<128x2560xf32>
    %mul3A_35 = arith.mulf %add3A_34, %mul3A_20 : vector<128x2560xf32>
    %add3A_36 = arith.constant -0.499995589 : f32
    %add3A_37 = vector.broadcast %add3A_36 : f32 to vector<128x2560xf32>
    %add3A_38 = arith.addf %mul3A_35, %add3A_37 : vector<128x2560xf32>
    %mul3A_39 = arith.mulf %add3A_38, %mul3A_20 : vector<128x2560xf32>
    %add3A_40 = arith.constant 0.999999463 : f32
    %add3A_41 = vector.broadcast %add3A_40 : f32 to vector<128x2560xf32>
    %add3A_42 = arith.addf %mul3A_39, %add3A_41 : vector<128x2560xf32>
    %get3A_43 = arith.constant 0 : index
    %get3A_44 = arith.constant 0 : index
    %get3A_45 = vector.load %arg1[%get3A_43, %get3A_44] : memref<2560x128xf32, #tpu.memory_space<vmem>>, vector<2560x128xf32>
    %transpose3A = tpu.transpose %get3A_45, [1, 0] : vector<2560x128xf32> -> vector<128x2560xf32>
    %get3A_46 = arith.constant 0 : index
    %get3A_47 = arith.constant 0 : index
    %get3A_48 = vector.load %arg3[%get3A_46, %get3A_47] : memref<16x2560xf32, #tpu.memory_space<vmem>>, vector<16x2560xf32>
    %get3A_49 = arith.constant 0 : index
    %get3A_50 = arith.constant 0 : index
    %get3A_51 = vector.load %arg2[%get3A_49, %get3A_50] : memref<2560x128xf32, #tpu.memory_space<vmem>>, vector<2560x128xf32>
    %transpose3A_52 = tpu.transpose %get3A_51, [1, 0] : vector<2560x128xf32> -> vector<128x2560xf32>
    %concatenate3A = tpu.concatenate %transpose3A, %get3A_48, %transpose3A_52, %add3A_42 in 0 : vector<128x2560xf32>, vector<16x2560xf32>, vector<128x2560xf32>, vector<128x2560xf32> -> vector<400x2560xf32>
    %swap3A = arith.constant 0 : index
    %swap3A_53 = arith.constant 0 : index
    %swap3A_54 = vector.load %arg7[%swap3A, %swap3A_53] : memref<400x2560xf32, #tpu.memory_space<vmem>>, vector<400x2560xf32>
    tpu.vector_store %arg7[%swap3A, %swap3A_53], %concatenate3A {strides = array<i32>} : memref<400x2560xf32, #tpu.memory_space<vmem>>, vector<400x2560xf32>,
    return
  }
  func.func @transform_0(%arg0: i32) -> (i32, i32) {
    %c0_i32 = arith.constant 0 : i32
    %c0_i32_0 = arith.constant 0 : i32
    return %arg0, %c0_i32 : i32, i32
  }
  func.func @transform_1(%arg0: i32) -> (i32, i32) {
    %c0_i32 = arith.constant 0 : i32
    %c0_i32_0 = arith.constant 0 : i32
    return %arg0, %c0_i32 : i32, i32
  }
  func.func @transform_2(%arg0: i32) -> (i32, i32) {
    %c0_i32 = arith.constant 0 : i32
    %c0_i32_0 = arith.constant 0 : i32
    return %c0_i32, %arg0 : i32, i32
  }
  func.func @transform_3(%arg0: i32) -> (i32, i32) {
    %c0_i32 = arith.constant 0 : i32
    %c0_i32_0 = arith.constant 0 : i32
    return %c0_i32, %arg0 : i32, i32
  }
  func.func @transform_4(%arg0: i32) -> (i32, i32) {
    %c0_i32 = arith.constant 0 : i32
    %c0_i32_0 = arith.constant 0 : i32
    %c0_i32_1 = arith.constant 0 : i32
    return %c0_i32, %c0_i32_0 : i32, i32
  }
  func.func @transform_5(%arg0: i32) -> (i32, i32) {
    %c0_i32 = arith.constant 0 : i32
    %c0_i32_0 = arith.constant 0 : i32
    %c0_i32_1 = arith.constant 0 : i32
    return %c0_i32, %c0_i32_0 : i32, i32
  }
  func.func @transform_6(%arg0: i32) -> (i32, i32) {
    %c0_i32 = arith.constant 0 : i32
    %c0_i32_0 = arith.constant 0 : i32
    return %c0_i32, %arg0 : i32, i32
  }
}

</mosaic_0001>

<sc_bundles>
// kernel: kernel.4.cloned.1.call-start
scs
__scs_entry_jumppad:
0x0: {  	(pc) =	sbr.rel $0x88, $3  }
0x1: {  	(tag) =	ssettag $0x0;
	lr =	simm.s32 $0x1  }
0x2: {  	[smem:$0x3F9A] =	sst lr;
	_ =	strace $0xD0000000  }
0x3: {  	_ = 	snop  }
0x4: {  	_ = 	snop  }
0x5: {  	_ = 	snop  }
0x6: {  	_ = 	snop  }
0x7: {  	_ = 	snop  }
__scs_overlays_trampoline_lowered:
0x8: {  	[smem:$0x3FA9] =	sst s0  }
0x9: {  	[smem:$0x3FAA] =	sst s1  }
0xa: {  	[smem:$0x3FAB] =	sst s2  }
0xb: {  	[smem:$0x3FAC] =	sst s3  }
0xc: {  	[smem:$0x3FAD] =	sst s4  }
0xd: {  	[smem:$0x3FAE] =	sst s5  }
0xe: {  	[smem:$0x3FAF] =	sst s6  }
0xf: {  	[smem:$0x3FB0] =	sst s7  }
0x10: {  	[smem:$0x3FB1] =	sst s8  }
0x11: {  	[smem:$0x3FB2] =	sst s9;
	s0 =	simm.s32 @!p0 $0x0  }
0x12: {  	s1 =	sld [smem:$0x3F98];
	s0 =	simm.s32 @p0 $0x1  }
0x13: {  	[smem:$0x3FB3] =	sst s0;
	s0 =	simm.s32 @!p1 $0x0  }
0x14: {  	s2 =	sld [smem:$0x3F97];
	s0 =	simm.s32 @p1 $0x1  }
0x15: {  	[smem:$0x3FB4] =	sst s0;
	s0 =	simm.s32 @!p2 $0x0  }
0x16: {  	s3 =	sld [smem:$0x3FDB];
	s0 =	simm.s32 @p2 $0x1  }
0x17: {  	s4 =	simm.s32 $0x1BF5;
	[smem:$0x3FB6] =	sst s0  }
0x18: {  	s0 =	sld [smem:$0x3F99];
	_ =	swait.ge [sflag:s4], $0x0  }
0x19: {  	s7 =	sld [smem:$0x3F9A]  }
0x1a: {  	s8 =	sadd.s32 $0xFFFFE003, lr  }
0x1b: {  	s9 =	sadd.s32 $0xFFFFFEF7, lr;
	s5 =	simm.s32 $0xFFFFFFFF;
	p2 =	slt.u32 s8, $0xFFFFF086  }
0x1c: {  	p1 =	slt.u32 s9, $0xF7A;
	s5 =	simm.s32 @!p2 $0x0  }
0x1d: {  	s5 =	simm.s32 @p1 $0x1;
	p0 =	seq.s32 s7, s2  }
0x1e: {  	s7 =	smul.u32 @!p0 $0xF7A, s2;
	p2 =	seq.s32 @!p0 s5, $0x0  }
0x1f: {  	s9 =	smul.u32 $0xF7A, s1;
	s8 =	simm.s32 @!p0 $0x1BF5;
	p2 =	por !p2, p0  }
0x20: {  	[sflag:s8] =	ssyncset.s32 @!p0 $0xFFFFF086;
	s6 =	sadd.s32 @!p0 s3, s7;
	s7 =	simm.s32 @!p0 $0x108  }
0x21: {  	s3 =	sadd.s32 s3, s9;
	s6 =	sadd.s32 @!p0 $0x88, s6;
	s7 =	simm.s32 @p2 $0x1082  }
0x22: {  	[simem:s7], [sflag:s8] =	dma.local @!p0 [hbm:s6], $0xF7A  }
0x23: {  	s9 =	sor.u32 $0xD0000000, s2;
	s6 =	simm.s32 $0x108;
	_ =	swait.ge @!p0 [sflag:s8], $0x0  }
0x24: {  	s3 =	sadd.s32 $0x88, s3;
	s6 =	simm.s32 @!p1 $0x1082;
	[sflag:s4] =	ssyncset.s32 $0xFFFFF086  }
0x25: {  	[simem:s6], [sflag:s4] =	dma.local [hbm:s3], $0xF7A  }
0x26: {  	[smem:$0x3F9A] =	sst s1;
	(tag) =	ssettag s2;
	_ =	strace s9  }
0x27: {  	s1 =	sld [smem:$0x3FAA]  }
0x28: {  	s2 =	sld [smem:$0x3FAB]  }
0x29: {  	s4 =	sld [smem:$0x3FAD]  }
0x2a: {  	p0 =	seq.s32 s5, $0x0;
	s5 =	sld [smem:$0x3FAE]  }
0x2b: {  	s6 =	sld [smem:$0x3FAF]  }
0x2c: {  	s7 =	sld [smem:$0x3FB0]  }
0x2d: {  	s3 =	simm.s32 $0x108;
	s8 =	sld [smem:$0x3FB1]  }
0x2e: {  	s3 =	simm.s32 @!p0 $0x1082;
	s9 =	sld [smem:$0x3FB2]  }
0x2f: {  	lr =	sadd.s32 s0, s3;
	s0 =	sld [smem:$0x3FA9]  }
0x30: {  	s3 =	sld [smem:$0x3FAC]  }
0x31: {  	[smem:$0x3FB5] =	sst s10  }
0x32: {  	s10 =	sld [smem:$0x3FB3];
	_ =	sdelay $0x3  }
0x33: {  	p0 =	seq.s32 s10, $0x1;
	s10 =	sld [smem:$0x3FB5];
	_ =	sdelay $0x3  }
0x34: {  	[smem:$0x3FB5] =	sst s10  }
0x35: {  	s10 =	sld [smem:$0x3FB4];
	_ =	sdelay $0x3  }
0x36: {  	p1 =	seq.s32 s10, $0x1;
	s10 =	sld [smem:$0x3FB5];
	_ =	sdelay $0x3  }
0x37: {  	[smem:$0x3FB5] =	sst s10  }
0x38: {  	s10 =	sld [smem:$0x3FB6]  }
0x39: {  	_ = 	snop;
	(pc) =	sbr.ind lr, $3  }
0x3a: {  	_ = 	snop  }
0x3b: {  	_ = 	snop  }
0x3c: {  	p2 =	seq.s32 s10, $0x1;
	s10 =	sld [smem:$0x3FB5]  }
0x3d: {  	_ =	shalt  }
0x3e: {  	_ =	shalt  }
0x3f: {  	_ =	shalt  }
0x40: {  	_ =	shalt  }
0x41: {  	_ =	shalt  }
0x42: {  	_ =	shalt  }
0x43: {  	_ =	shalt  }
0x44: {  	_ =	shalt  }
0x45: {  	_ =	shalt  }
0x46: {  	_ =	shalt  }
0x47: {  	_ =	shalt  }
0x48: {  	_ =	shalt  }
0x49: {  	_ =	shalt  }
0x4a: {  	_ =	shalt  }
0x4b: {  	_ =	shalt  }
0x4c: {  	_ =	shalt  }
0x4d: {  	_ =	shalt  }
0x4e: {  	_ =	shalt  }
0x4f: {  	_ =	shalt  }
0x50: {  	_ =	shalt  }
0x51: {  	_ =	shalt  }
0x52: {  	_ =	shalt  }
0x53: {  	_ =	shalt  }
0x54: {  	_ =	shalt  }
0x55: {  	_ =	shalt  }
0x56: {  	_ =	shalt  }
0x57: {  	_ =	shalt  }
0x58: {  	_ =	shalt  }
0x59: {  	_ =	shalt  }
0x5a: {  	_ =	shalt  }
0x5b: {  	_ =	shalt  }
0x5c: {  	_ =	shalt  }
0x5d: {  	_ =	shalt  }
0x5e: {  	_ =	shalt  }
0x5f: {  	_ =	shalt  }
0x60: {  	_ =	shalt  }
0x61: {  	_ =	shalt  }
0x62: {  	_ =	shalt  }
0x63: {  	_ =	shalt  }
0x64: {  	_ =	shalt  }
0x65: {  	_ =	shalt  }
0x66: {  	_ =	shalt  }
0x67: {  	_ =	shalt  }
0x68: {  	_ =	shalt  }
0x69: {  	_ =	shalt  }
0x6a: {  	_ =	shalt  }
0x6b: {  	_ =	shalt  }
0x6c: {  	_ =	shalt  }
0x6d: {  	_ =	shalt  }
0x6e: {  	_ =	shalt  }
0x6f: {  	_ =	shalt  }
0x70: {  	_ =	shalt  }
0x71: {  	_ =	shalt  }
0x72: {  	_ =	shalt  }
0x73: {  	_ =	shalt  }
0x74: {  	_ =	shalt  }
0x75: {  	_ =	shalt  }
0x76: {  	_ =	shalt  }
0x77: {  	_ =	shalt  }
0x78: {  	_ =	shalt  }
0x79: {  	_ =	shalt  }
0x7a: {  	_ =	shalt  }
0x7b: {  	_ =	shalt  }
0x7c: {  	_ =	shalt  }
0x7d: {  	_ =	shalt  }
0x7e: {  	_ =	shalt  }
0x7f: {  	_ =	shalt  }
0x80: {  	_ =	shalt  }
0x81: {  	_ =	shalt  }
0x82: {  	_ =	shalt  }
0x83: {  	_ =	shalt  }
0x84: {  	_ =	shalt  }
0x85: {  	_ =	shalt  }
0x86: {  	_ =	shalt  }
0x87: {  	_ =	shalt  }
.Lfunc_end0:
.L_simem_size_0:
called_computation_lowered:
.L_overlay_start_0:
0x88: {  	s2 =	sld [smem:$0x3FD9]  }
0x89: {  	s3 =	sld [smem:$0x3FFE];
	_ =	sdelay $0x1  }
0x8a: {  	s1 =	srdreg.scid  }
0x8b: {  	s0 =	sand.u32 $0x1, s1  }
0x8c: {  	s17 =	sshll.u32 s0, $0xA;
	s2 =	sadd.s32 s3, s2  }
0x8d: {  	s2 =	sadd.s32 s2, s17  }
0x8e: {  	[smem:$0x3FC1] =	sst s2  }
0x8f: {  	_ = 	snop  }
0x90: {  	s2 =	sld [smem:$0x3FC9]  }
0x91: {  	s18 =	sld [smem:$0x3FC7]  }
0x92: {  	s4 =	sld [smem:$0x3FC6];
	(tm) =	ssettm $0x1  }
0x93: {  	s5 =	sld [smem:$0x3FFB];
	_ =	sdelay $0x3  }
0x94: {  	_ =	strace s5  }
0x95: {  	s5 =	sld [smem:$0x3FFC];
	_ =	sdelay $0x3  }
0x96: {  	_ =	strace s5  }
0x97: {  	s5 =	sld [smem:$0x3FFD];
	_ =	sdelay $0x3  }
0x98: {  	_ =	strace s5  }
0x99: {  	_ =	strace $0x8FFFFFFF  }
0x9a: {  	s19 =	sld [smem:$0x3FDB];
	_ =	sdelay $0x1  }
0x9b: {  	s6 =	simm.s32 $_scs_section_size  }
0x9c: {  	s7 =	simm.s32 $_size__tile_overlayer_lowered;
	s8 =	simm.s32 $_tile_overlayer_lowered  }
0x9d: {  	s22 =	simm.s32 $0x1BFF;
	s21 =	sshll.u32 s8, $0x1;
	s5 =	sadd.s32 s6, s19  }
0x9e: {  	s9 =	simm.s32 $0x0;
	s20 =	sshll.u32 s7, $0x1;
	s7 =	sadd.s32 s21, s5  }
0x9f: {  	[timem:s9], [sflag:s22] =	dma.local [hbm:s7], s20  }
0xa0: {  	_ =	swait.ge [sflag:s22], s20  }
0xa1: {  	s6 =	ssub.s32 $0x0, s20;
	[sflag:s22] =	ssyncset.done $0x0  }
0xa2: {  	[sflag:s22] =	ssyncadd.s32 s6;
	_ =	sdelay $0x1  }
0xa3: {  	s23 =	simm.s32 $0x1B8B  }
0xa4: {  	_ =	swait.ge [sflag:s23], $0x1  }
0xa5: {  	[sflag:s23] =	ssyncset.done $0x0  }
0xa6: {  	s25 =	simm.s32 $0x1B8E;
	s24 =	sld [smem:$0x3FFE];
	[sflag:s23] =	ssyncadd.s32 $0xFFFFFFFF  }
0xa7: {  	s26 =	simm.s32 $execute0_lowered;
	[smem:$0x3FD2] =	sst s25  }
0xa8: {  	s7 =	sshll.u32 s26, $0x1;
	_ =	strace $0x80000046;
	[dreg:$0x1] =	wrdreg $0xFFFFFFFF  }
0xa9: {  	s28 =	simm.s32 $_size_execute0_lowered;
	s5 =	sadd.s32 s5, s7;
	[dreg:$0x0] =	wrdreg $0x0  }
0xaa: {  	s7 =	sshll.u32 s28, $0x1;
	[dreg:$0x2] =	wrdreg s5  }
0xab: {  	[dreg:$0x3] =	wrdreg s7  }
0xac: {  	[dreg:$0x4] =	wrdreg $0xC0  }
0xad: {  	_ =	task [dreg:s9], $0x5FFFF  }
0xae: {  	[dreg:$0x1] =	wrdreg $0xFFFFFFFF  }
0xaf: {  	[dreg:$0x0] =	wrdreg $0x60  }
0xb0: {  	[dreg:$0x2] =	wrdreg s2  }
0xb1: {  	[dreg:$0x3] =	wrdreg s18  }
0xb2: {  	[dreg:$0x4] =	wrdreg s4  }
0xb3: {  	[dreg:$0x5] =	wrdreg s24  }
0xb4: {  	[dreg:$0x6] =	wrdreg $0x9  }
0xb5: {  	_ =	task.clear_ibuf [dreg:s9], $0x7FFFF;
	_ =	strace $0x90000046  }
0xb6: {  	s29 =	simm.s32 $0x9;
	_ =	strace $0x80000048  }
0xb7: {  	_ =	swait.ge [sflag:s29], $0x1  }
0xb8: {  	[sflag:s29] =	ssyncadd.s32 $0xFFFFFFFF  }
0xb9: {  	_ =	strace $0x90000048  }
0xba: {  	_ =	sfence  }
0xbb: {  	s30 =	sld [smem:$0x0];
	_ =	sdelay $0x2  }
0xbc: {  	s31 =	sshll.u32 s1, $0xD;
	s1 =	sshrl.u32 s1, $0x2  }
0xbd: {  	s3 =	sand.u32 $0x4000, s31;
	s1 =	sadd.s32 s1, s30  }
0xbe: {  	s0 =	sor.u32 s3, s0;
	s1 =	sshll.u32 s1, $0x11  }
0xbf: {  	s0 =	sor.u32 s1, s0  }
0xc0: {  	s0 =	sadd.s32 $0x8F2B, s0  }
0xc1: {  	[sflag:s0] =	ssyncadd.remote.s32 $0x1  }
0xc2: {  	_ =	sfence.sel $0xFFFF  }
0xc3: {  	[dreg:$0x0] =	wrdreg $0xFFFFFFFF;
	(pc) =	sbr.abs _section_cstart, $3  }
0xc4: {  	[dreg:$0x1] =	wrdreg $0xFFFFFFFF  }
0xc5: {  	_ =	task.clear_ibuf [dreg:s9], $0x2FFFF;
	_ =	strace $0x9FFFFFFF  }
0xc6: {  	(tm) =	ssettm $0x7FFFFFFF  }
0xc7: {  	_ =	shalt  }
tec
execute0_lowered:
.L_overlay_start_1:
0x0: {  	(tag) =	ssettag $0x1  }
0x1: {  	s1 =	rddreg [dreg:$0x0]  }
0x2: {  	s7 =	rddreg [dreg:$0x1]  }
0x3: {  	s8 =	rddreg [dreg:$0x2]  }
0x4: {  	s4 =	rddreg [dreg:$0x3]  }
0x5: {  	s0 =	rddreg [dreg:$0x4];
	s2 =	simm.s32 $0x0  }
0x6: {  	s3 =	srdreg.scid;
	[smem:$0x7FF] =	sst s2  }
0x7: {  	s5 =	sadd.s32 $0x1000, s4;
	s9 =	sand.u32 $0x1, s3;
	s3 =	stileid.u32  }
0x8: {  	s4 =	sadd.s32 $0x4E3000, s4;
	_ =	strace $0x80000047;
	[dreg:$0x6] =	wrdreg s5  }
0x9: {  	s29 =	ssub.s32 $0x2, s9;
	s10 =	sshll.u32 s3, $0x1;
	[dreg:$0x7] =	wrdreg s4  }
0xa: {  	s31 =	sshll.u32 s3, $0x5;
	s6 =	sshrl.u32 s29, $0x1;
	s4 =	sor.u32 s9, s10  }
0xb: {  	s8 =	sadd.s32 s31, s8;
	s9 =	sshll.u32 s9, $0x4;
	s5 =	ssub.s32 s29, s6  }
0xc: {  	s30 =	ssub.s32 $0xA04, s4;
	s10 =	sshll.u32 s4, $0xB;
	s5 =	smax.u32 s5, $0x1  }
0xd: {  	[dreg:$0x5] =	wrdreg s30;
	s6 =	sor.u32 $0xFFFF0000, s10;
	s10 =	sadd.s32 s31, s7  }
0xe: {  	s7 =	sadd.s32 s9, s8;
	s8 =	sadd.s32 s9, s10;
	s9 =	simm.s32 $0x0  }
.LBB2_1:
0xf: {  	s10 =	rddreg [dreg:$0x5];
	p0 =	por $0x1, $0x1  }
0x10: {  	p1 =	sle.u32 @!p0 s10, $0x0  }
0x11: {  	p1 =	por p1, p0  }
0x12: {  	s14 =	simm.s32 $0x20;
	s10 =	sand.u32 @!p1 $0x1, s2  }
0x13: {  	s11 =	simm.s32 $0xFFFFFFFF;
	s12 =	sadd.s32 $0x0, s4;
	s10 =	sadd.s32 @!p1 $0x5, s10  }
0x14: {  	p2 =	por $0x1, $0x1;
	s19 =	simm.s32 $0x40;
	_ =	swait.ge @!p1 [sflag:s10], $0x4000  }
0x15: {  	s22 =	smov.u32 s6;
	p0 =	sgt.u32 s12, $0x9C3;
	[sflag:s10] =	ssyncset.done @!p1 $0x0  }
0x16: {  	s12 =	sadd.s32 $0xFFFFFFE0, s12;
	s15 =	sand.u32 @!p0 $0x1, s2;
	[sflag:s10] =	ssyncadd.s32 @!p1 $0xFFFFC000  }
0x17: {  	s13 =	simm.s32 @!p0 $0x0;
	p3 =	sgt.s32 @!p2 s12, $0x9C3;
	_ =	swait.ge @!p1 [sflag:s10], $0x4000  }
0x18: {  	s17 =	sadd.s32 @!p0 $0x1, s15;
	p2 =	por p3, p2;
	[sflag:s10] =	ssyncset.done @!p1 $0x0  }
0x19: {  	s16 =	sshll.u32 @!p0 s15, $0x7;
	s24 =	sand.u32 @!p2 $0x1, s11;
	[sflag:s10] =	ssyncadd.s32 @!p1 $0xFFFFC000  }
0x1a: {  	[tilespmem:s16], [sflag:s17] =	stream.linear.gather @!p0 [hbm4b:s8+s13], $0x80, $0x38;
	[tilespmem:$0x10200] =	vst v63  }
0x1b: {  	s18 =	sor.u32 @!p0 $0x100, s16;
	s26 =	sadd.s32 @!p2 $0x3, s24;
	s10 =	sshll.u32 @!p0 s15, $0xE  }
0x1c: {  	[tilespmem:s18], [sflag:s17] =	stream.linear.gather @!p0 [hbm4b:s7+s13], $0x80, $0x38;
	[tilespmem:$0x10200] =	vst v63  }
0x1d: {  	s12 =	sadd.s32 $0x200, s7;
	s21 =	sor.u32 @!p0 $0x200, s10;
	_ =	swait.ge @!p2 [sflag:s26], $0x4000  }
0x1e: {  	s20 =	sor.u32 @!p0 $0x8200, s10;
	s10 =	sshll.u32 @!p2 s24, $0xE;
	[sflag:s26] =	ssyncset.done @!p2 $0x0  }
0x1f: {  	s11 =	sadd.s32 $0x200, s8;
	s25 =	sor.u32 @!p2 $0x8200, s10;
	[sflag:s26] =	ssyncadd.s32 @!p2 $0xFFFFC000  }
0x20: {  	s28 =	sor.u32 @!p2 $0x200, s10;
	s10 =	smov.u32 s6;
	_ =	swait.ge @!p2 [sflag:s26], $0x4000  }
0x21: {  	s13 =	simm.s32 $0x1;
	[sflag:s26] =	ssyncset.done @!p2 $0x0;
	s29 =	rddreg [dreg:$0x6]  }
.LBB2_2:
0x22: {  	s30 =	rddreg [dreg:$0x7];
	s22 =	sand.u32 @!p2 $0x1FFFF800, s22;
	s31 =	simm.s32 @!p2 $0x0  }
0x23: {  	[sflag:s26] =	ssyncadd.s32 @!p2 $0xFFFFC000;
	s24 =	sadd.s32 @!p2 $0x5, s24;
	s26 =	sadd.s32 @!p2 s29, s22  }
0x24: {  	[hbm4b:s26+s31] =	stream.linear.scatter @!p2 [tilespmem:s28], [sflag:s24], $0x4000, $0x38;
	[tilespmem:$0x10200] =	vst v63  }
0x25: {  	s26 =	sadd.s32 @!p2 s30, s22  }
0x26: {  	[hbm4b:s26+s31] =	stream.linear.scatter @!p2 [tilespmem:s25], [sflag:s24], $0x4000, $0x38;
	[tilespmem:$0x10200] =	vst v63  }
0x27: {  	_ =	swait.ge @!p0 [sflag:s17], $0x80  }
0x28: {  	[sflag:s17] =	ssyncset.done @!p0 $0x0  }
0x29: {  	[sflag:s17] =	ssyncadd.s32 @!p0 $0xFFFFFF80  }
0x2a: {  	s15 =	sadd.s32 @!p0 $0x3, s15;
	_ =	swait.ge @!p0 [sflag:s17], $0x80  }
0x2b: {  	p2 =	slt.u32 s13, $0x2;
	s24 =	rddreg [dreg:$0x5];
	[sflag:s17] =	ssyncset.done @!p0 $0x0  }
0x2c: {  	[sflag:s17] =	ssyncadd.s32 @!p0 $0xFFFFFF80;
	s17 =	simm.s32 @!p0 $0x80;
	p3 =	sge.u32 @!p2 s14, s24  }
0x2d: {  	[tilespmem:s21], [sflag:s15] =	stream.indirect.gather @!p0 [hbm4b:s1+s17], $0x80, s16, s17, $0xb8;
	[tilespmem:$0x10200] =	vst v63  }
0x2e: {  	s23 =	smov.u32 s19;
	s19 =	sadd.s32 $0x20, s19;
	p3 =	por p3, p2  }
0x2f: {  	s10 =	sadd.s32 $0x10000, s10;
	p1 =	sne.s32 s19, $0xA20;
	s16 =	sand.u32 @!p3 $0x1, s13  }
0x30: {  	s22 =	smov.u32 s10;
	s31 =	sadd.s32 s14, s4;
	s25 =	sadd.s32 @!p3 $0x5, s16  }
0x31: {  	[tilespmem:s20], [sflag:s15] =	stream.indirect.gather @!p0 [hbm4b:s1+s17], $0x80, s18, s17, $0xb8;
	[tilespmem:$0x10200] =	vst v63  }
0x32: {  	p2 =	seq.s32 s14, $0x0;
	s14 =	sadd.s32 $0xFFFFFFE0, s31;
	_ =	swait.ge @!p3 [sflag:s25], $0x4000  }
0x33: {  	s24 =	sadd.s32 $0xFFFFFFFF, s13;
	p4 =	sgt.s32 @!p2 s14, $0x9C3;
	[sflag:s25] =	ssyncset.done @!p3 $0x0  }
0x34: {  	p0 =	sgt.u32 s31, $0x9C3;
	p2 =	por p4, p2;
	[sflag:s25] =	ssyncadd.s32 @!p3 $0xFFFFC000  }
0x35: {  	s15 =	sand.u32 @!p0 $0x1, s13;
	s28 =	simm.s32 @!p0 $0x0;
	_ =	swait.ge @!p3 [sflag:s25], $0x4000  }
0x36: {  	s24 =	sand.u32 @!p2 $0x1, s24;
	s13 =	sadd.s32 $0x1, s13;
	[sflag:s25] =	ssyncset.done @!p3 $0x0  }
0x37: {  	s17 =	sadd.s32 @!p0 $0x1, s15;
	s16 =	sshll.u32 @!p0 s15, $0x7;
	[sflag:s25] =	ssyncadd.s32 @!p3 $0xFFFFC000  }
0x38: {  	[tilespmem:s16], [sflag:s17] =	stream.linear.gather @!p0 [hbm4b:s11+s28], $0x80, $0x38;
	[tilespmem:$0x10200] =	vst v63  }
0x39: {  	s14 =	sshll.u32 @!p0 s15, $0xE;
	s26 =	sadd.s32 @!p2 $0x3, s24;
	s18 =	sor.u32 @!p0 $0x100, s16  }
0x3a: {  	[tilespmem:s18], [sflag:s17] =	stream.linear.gather @!p0 [hbm4b:s12+s28], $0x80, $0x38;
	[tilespmem:$0x10200] =	vst v63  }
.Ltmp0:
0x3b: {  	s21 =	sor.u32 @!p0 $0x200, s14;
	_ =	swait.ge @!p2 [sflag:s26], $0x4000;
	(pc) =	sbr.rel @p1 .LBB2_2-.Ltmp0, $4  }
0x3c: {  	s20 =	sor.u32 @!p0 $0x8200, s14;
	s14 =	sshll.u32 @!p2 s24, $0xE;
	[sflag:s26] =	ssyncset.done @!p2 $0x0  }
0x3d: {  	s25 =	sor.u32 @!p2 $0x8200, s14;
	s11 =	sadd.s32 $0x200, s11;
	[sflag:s26] =	ssyncadd.s32 @!p2 $0xFFFFC000  }
0x3e: {  	s28 =	sor.u32 @!p2 $0x200, s14;
	s14 =	smov.u32 s23;
	_ =	swait.ge @!p2 [sflag:s26], $0x4000  }
0x3f: {  	s12 =	sadd.s32 $0x200, s12;
	[sflag:s26] =	ssyncset.done @!p2 $0x0;
	s29 =	rddreg [dreg:$0x6]  }
0x40: {  	s19 =	rddreg [dreg:$0x7];
	s22 =	sand.u32 @!p2 $0x1FFFF800, s22;
	s23 =	simm.s32 @!p2 $0x0  }
0x41: {  	[sflag:s26] =	ssyncadd.s32 @!p2 $0xFFFFC000;
	s24 =	sadd.s32 @!p2 $0x5, s24;
	s26 =	sadd.s32 @!p2 s29, s22  }
0x42: {  	[hbm4b:s26+s23] =	stream.linear.scatter @!p2 [tilespmem:s28], [sflag:s24], $0x4000, $0x38;
	[tilespmem:$0x10200] =	vst v63  }
0x43: {  	s19 =	sadd.s32 @!p2 s19, s22  }
0x44: {  	[hbm4b:s19+s23] =	stream.linear.scatter @!p2 [tilespmem:s25], [sflag:s24], $0x4000, $0x38;
	[tilespmem:$0x10200] =	vst v63  }
0x45: {  	_ =	swait.ge @!p0 [sflag:s17], $0x80  }
0x46: {  	[sflag:s17] =	ssyncset.done @!p0 $0x0  }
0x47: {  	[sflag:s17] =	ssyncadd.s32 @!p0 $0xFFFFFF80  }
0x48: {  	p1 =	slt.u32 s13, $0x2;
	_ =	swait.ge @!p0 [sflag:s17], $0x80  }
0x49: {  	s15 =	sadd.s32 @!p0 $0x3, s15;
	s19 =	rddreg [dreg:$0x5];
	[sflag:s17] =	ssyncset.done @!p0 $0x0  }
0x4a: {  	[sflag:s17] =	ssyncadd.s32 @!p0 $0xFFFFFF80;
	s17 =	simm.s32 @!p0 $0x80;
	p2 =	sge.u32 @!p1 s14, s19  }
0x4b: {  	[tilespmem:s21], [sflag:s15] =	stream.indirect.gather @!p0 [hbm4b:s1+s17], $0x80, s16, s17, $0xb8;
	[tilespmem:$0x10200] =	vst v63  }
0x4c: {  	p2 =	por p2, p1  }
0x4d: {  	s16 =	sand.u32 @!p2 $0x1, s13  }
0x4e: {  	s31 =	sadd.s32 s14, s4;
	s16 =	sadd.s32 @!p2 $0x5, s16  }
0x4f: {  	[tilespmem:s20], [sflag:s15] =	stream.indirect.gather @!p0 [hbm4b:s1+s17], $0x80, s18, s17, $0xb8;
	[tilespmem:$0x10200] =	vst v63  }
0x50: {  	p1 =	seq.s32 s14, $0x0;
	s14 =	sadd.s32 $0xFFFFFFE0, s31;
	_ =	swait.ge @!p2 [sflag:s16], $0x4000  }
0x51: {  	p3 =	sgt.s32 @!p1 s14, $0x9C3;
	[sflag:s16] =	ssyncset.done @!p2 $0x0  }
0x52: {  	s15 =	sadd.s32 $0xFFFFFFFF, s13;
	p0 =	sgt.u32 s31, $0x9C3;
	[sflag:s16] =	ssyncadd.s32 @!p2 $0xFFFFC000  }
0x53: {  	p1 =	por p3, p1;
	s13 =	sand.u32 @!p0 $0x1, s13;
	_ =	swait.ge @!p2 [sflag:s16], $0x4000  }
0x54: {  	s17 =	simm.s32 @!p0 $0x0;
	s15 =	sand.u32 @!p1 $0x1, s15;
	[sflag:s16] =	ssyncset.done @!p2 $0x0  }
0x55: {  	s14 =	sadd.s32 @!p0 $0x1, s13;
	s18 =	sshll.u32 @!p0 s13, $0x7;
	[sflag:s16] =	ssyncadd.s32 @!p2 $0xFFFFC000  }
0x56: {  	[tilespmem:s18], [sflag:s14] =	stream.linear.gather @!p0 [hbm4b:s11+s17], $0x80, $0x38;
	[tilespmem:$0x10200] =	vst v63  }
0x57: {  	s16 =	sadd.s32 @!p1 $0x3, s15;
	s11 =	sor.u32 @!p0 $0x100, s18  }
0x58: {  	[tilespmem:s11], [sflag:s14] =	stream.linear.gather @!p0 [hbm4b:s12+s17], $0x80, $0x38;
	[tilespmem:$0x10200] =	vst v63  }
0x59: {  	_ =	swait.ge @!p1 [sflag:s16], $0x4000  }
0x5a: {  	s10 =	sadd.s32 $0x10000, s10;
	[sflag:s16] =	ssyncset.done @!p1 $0x0  }
0x5b: {  	s10 =	sand.u32 @!p1 $0x1FFFF800, s10;
	s21 =	simm.s32 @!p1 $0x0;
	[sflag:s16] =	ssyncadd.s32 @!p1 $0xFFFFC000  }
0x5c: {  	s12 =	sshll.u32 @!p1 s15, $0xE;
	s15 =	sadd.s32 @!p1 $0x5, s15;
	_ =	swait.ge @!p1 [sflag:s16], $0x4000  }
0x5d: {  	s19 =	sor.u32 @!p1 $0x200, s12;
	s17 =	rddreg [dreg:$0x6];
	[sflag:s16] =	ssyncset.done @!p1 $0x0  }
0x5e: {  	s20 =	rddreg [dreg:$0x7];
	[sflag:s16] =	ssyncadd.s32 @!p1 $0xFFFFC000;
	s16 =	sadd.s32 @!p1 s17, s10  }
0x5f: {  	[hbm4b:s16+s21] =	stream.linear.scatter @!p1 [tilespmem:s19], [sflag:s15], $0x4000, $0x38;
	[tilespmem:$0x10200] =	vst v63  }
0x60: {  	s12 =	sor.u32 @!p1 $0x8200, s12;
	s10 =	sadd.s32 @!p1 s20, s10  }
0x61: {  	[hbm4b:s10+s21] =	stream.linear.scatter @!p1 [tilespmem:s12], [sflag:s15], $0x4000, $0x38;
	[tilespmem:$0x10200] =	vst v63  }
0x62: {  	_ =	swait.ge @!p0 [sflag:s14], $0x80  }
0x63: {  	[sflag:s14] =	ssyncset.done @!p0 $0x0  }
0x64: {  	[sflag:s14] =	ssyncadd.s32 @!p0 $0xFFFFFF80  }
0x65: {  	_ =	swait.ge @!p0 [sflag:s14], $0x80  }
0x66: {  	s10 =	sshll.u32 @!p0 s13, $0xE;
	s13 =	sadd.s32 @!p0 $0x3, s13;
	[sflag:s14] =	ssyncset.done @!p0 $0x0  }
0x67: {  	s12 =	sor.u32 @!p0 $0x200, s10;
	[sflag:s14] =	ssyncadd.s32 @!p0 $0xFFFFFF80;
	s14 =	simm.s32 @!p0 $0x80  }
0x68: {  	[tilespmem:s12], [sflag:s13] =	stream.indirect.gather @!p0 [hbm4b:s1+s14], $0x80, s18, s14, $0xb8;
	[tilespmem:$0x10200] =	vst v63  }
0x69: {  	s9 =	sadd.s32 $0x1, s9;
	s10 =	sor.u32 @!p0 $0x8200, s10  }
0x6a: {  	[tilespmem:s10], [sflag:s13] =	stream.indirect.gather @!p0 [hbm4b:s1+s14], $0x80, s11, s14, $0xb8;
	[tilespmem:$0x10200] =	vst v63  }
0x6b: {  	p0 =	sne.s32 s9, s5  }
.Ltmp1:
0x6c: {  	_ = 	snop;
	(pc) =	sbr.rel @p0 .LBB2_1-.Ltmp1, $1  }
0x6d: {  	_ =	sdelay $0x3  }
0x6e: {  	_ =	sfence.sel $0x180000  }
0x6f: {  	[bflag:$0x0] =	sbarrier.arrive $0xFFFF  }
0x70: {  	p0 =	sne.s32 s3, $0x0;
	_ =	strace $0x90000047  }
0x71: {  	s0 =	sadd.s32 @!p0 $0x100000, s0;
	[bflag:$0x2] =	sbarrier.arrive $0xFFFF  }
0x72: {  	[sflag:s0] =	ssyncadd.tile.s32 @!p0 $0x1;
	_ =	shalt  }
.Lfunc_end2:
_tile_overlayer_lowered:
.L_overlay_start_2:
0x73: {  	(tag) =	ssettag $0x2  }
0x74: {  	s0 =	rddreg [dreg:$0x0];
	s2 =	stileid.u32  }
0x75: {  	s1 =	rddreg [dreg:$0x1];
	p0 =	sne.s32 s2, $0x0  }
0x76: {  	s3 =	rddreg [dreg:$0x2];
	[bflag:$0x3] =	sbarrier.arrive $0xFFFF;
	s2 =	simm.s32 @!p0 $0x1C07  }
0x77: {  	[timem:s3], [sflag:s2] =	dma.local @!p0 [hbm:s0], s1  }
0x78: {  	s0 =	simm.s32 @!p0 $0x7  }
0x79: {  	_ =	swait.ge @!p0 [sflag:s0], s1  }
0x7a: {  	s1 =	ssub.s32 @!p0 $0x0, s1;
	[sflag:s0] =	ssyncset.done @!p0 $0x0  }
0x7b: {  	[sflag:s0] =	ssyncadd.s32 @!p0 s1  }
0x7c: {  	[bflag:$0x3] =	sbarrier.arrive $0xFFFF  }
0x7d: {  	_ =	shalt  }

</sc_bundles>
